<compile_context>
chip_gen: v7x
topology: tpu7x:2x2x1
jax: 0.10.2.dev20260603
libtpu: 0.0.44.dev20260713+nightly
codegen_flags: <defaults>
</compile_context>

<pallas_src>
import functools

import jax
import jax.numpy as jnp
import numpy as np
from jax import lax
from jax.experimental import pallas as pl
from jax.experimental.pallas import tpu as pltpu
from jax.experimental.pallas import tpu_sc as plsc

VOCAB = 100000
EMBED = 128
SEQ = 200
BATCH = 1024
N_TOK = BATCH * SEQ
N_WORKERS = 32
TOK_PER_W = N_TOK // N_WORKERS
CHUNK = 128
N_CHUNKS = TOK_PER_W // CHUNK
LANES = 16
NSUB = EMBED // LANES

_GDN = lax.GatherDimensionNumbers(
    offset_dims=(), collapsed_slice_dims=(0,), start_index_map=(0,))


def _lane_shuffle(x16, perm):
    return lax.gather(x16, perm, _GDN, (1,),
                      mode=lax.GatherScatterMode.PROMISE_IN_BOUNDS)


def _bfly_perms(lane_iota):
    return [(lane_iota ^ (1 << k)).reshape(LANES, 1) for k in range(4)]


def _lane_allsum(x16, perms):
    for perm in perms:
        x16 = x16 + _lane_shuffle(x16, perm)
    return x16


def _newton_rsqrt(x16):
    i = lax.bitcast_convert_type(x16, jnp.int32)
    y = lax.bitcast_convert_type(jnp.int32(0x5F3759DF) - (i >> 1), jnp.float32)
    for _ in range(2):
        y = y * (1.5 - 0.5 * x16 * y * y)
    return y


def _make_sc_kernel():
    mesh = plsc.VectorSubcoreMesh(core_axis_name="c", subcore_axis_name="s")

    @functools.partial(
        pl.kernel,
        mesh=mesh,
        out_type=jax.ShapeDtypeStruct((N_TOK, EMBED), jnp.float32),
        scratch_types=[
            pltpu.VMEM((TOK_PER_W,), jnp.int32),
            pltpu.VMEM((TOK_PER_W,), jnp.int32),
            pltpu.VMEM_SHARED((2 * SEQ, EMBED), jnp.float32),
            pltpu.VMEM((CHUNK, EMBED), jnp.float32),
            pltpu.VMEM((CHUNK, EMBED), jnp.float32),
            pltpu.VMEM((CHUNK, EMBED), jnp.float32),
            pltpu.VMEM((CHUNK, EMBED), jnp.float32),
            pltpu.VMEM((2, EMBED), jnp.float32),
            pltpu.SemaphoreType.DMA,
            pltpu.SemaphoreType.DMA,
            pltpu.SemaphoreType.DMA,
            pltpu.SemaphoreType.DMA,
            pltpu.SemaphoreType.DMA,
            pltpu.SemaphoreType.DMA,
        ],
    )
    def emb_ln(ids_h, tt_h, comb_h, word_h, gb_h, out_h,
               ids_v, aidx_v, comb_sh, rows0, rows1, add0, add1, gb_v,
               sem_w0, sem_w1, sem_a0, sem_a1, sem_o0, sem_o1):
        wid = lax.axis_index("s") * 2 + lax.axis_index("c")
        base0 = wid * TOK_PER_W
        rows = (rows0, rows1)
        adds = (add0, add1)
        sem_w = (sem_w0, sem_w1)
        sem_a = (sem_a0, sem_a1)
        sem_o = (sem_o0, sem_o1)

        pltpu.sync_copy(gb_h, gb_v)
        gammas = [gb_v[0, pl.ds(LANES * j, LANES)] for j in range(NSUB)]
        betas = [gb_v[1, pl.ds(LANES * j, LANES)] for j in range(NSUB)]
        lane_iota = lax.iota(jnp.int32, LANES)
        perms = _bfly_perms(lane_iota)

        @pl.when(lax.axis_index("s") == 0)
        def _stage_comb():
            pltpu.sync_copy(comb_h, comb_sh)

        pltpu.sync_copy(ids_h.at[pl.ds(base0, TOK_PER_W)], ids_v)
        pltpu.sync_copy(tt_h.at[pl.ds(base0, TOK_PER_W)], aidx_v)

        @pl.loop(0, TOK_PER_W // LANES)
        def _aidx(grp):
            off = grp * LANES
            s16 = (off + lane_iota) % SEQ
            aidx_v[pl.ds(off, LANES)] = aidx_v[pl.ds(off, LANES)] * SEQ + s16

        plsc.subcore_barrier()

        def issue_gathers(c, b):
            iv = ids_v.at[pl.ds(c * CHUNK, CHUNK)]
            av = aidx_v.at[pl.ds(c * CHUNK, CHUNK)]
            pltpu.async_copy(word_h.at[iv], rows[b], sem_w[b])
            pltpu.async_copy(comb_sh.at[av], adds[b], sem_a[b])

        def wait_gathers(c, b):
            iv = ids_v.at[pl.ds(c * CHUNK, CHUNK)]
            av = aidx_v.at[pl.ds(c * CHUNK, CHUNK)]
            pltpu.make_async_copy(word_h.at[iv], rows[b], sem_w[b]).wait()
            pltpu.make_async_copy(comb_sh.at[av], adds[b], sem_a[b]).wait()

        def issue_writeback(c, b):
            dst = out_h.at[pl.ds(base0 + c * CHUNK, CHUNK)]
            pltpu.async_copy(rows[b], dst, sem_o[b])

        def wait_writeback(c, b):
            dst = out_h.at[pl.ds(base0 + c * CHUNK, CHUNK)]
            pltpu.make_async_copy(rows[b], dst, sem_o[b]).wait()

        def compute_chunk(b):
            rows_v, add_v = rows[b], adds[b]

            @plsc.parallel_loop(0, CHUNK, 1, unroll=2)
            def _tok(i):
                r = [rows_v[i, pl.ds(LANES * j, LANES)]
                     + add_v[i, pl.ds(LANES * j, LANES)]
                     for j in range(NSUB)]
                s = ((r[0] + r[1]) + (r[2] + r[3])) + \
                    ((r[4] + r[5]) + (r[6] + r[7]))
                q = [rj * rj for rj in r]
                q = ((q[0] + q[1]) + (q[2] + q[3])) + \
                    ((q[4] + q[5]) + (q[6] + q[7]))
                mean16 = _lane_allsum(s, perms) * (1.0 / EMBED)
                var16 = _lane_allsum(q, perms) * (1.0 / EMBED) \
                    - mean16 * mean16
                rstd = _newton_rsqrt(var16 + 1e-12)
                for j in range(NSUB):
                    c1 = gammas[j] * rstd
                    rows_v[i, pl.ds(LANES * j, LANES)] = (
                        (r[j] - mean16) * c1 + betas[j])

        def phase(c, b):
            nb = 1 - b

            @pl.when(c + 1 < N_CHUNKS)
            def _prefetch():
                @pl.when(c >= 1)
                def _drain():
                    wait_writeback(c - 1, nb)
                issue_gathers(c + 1, nb)

            wait_gathers(c, b)
            issue_writeback(c, b)

        issue_gathers(0, 0)

        @pl.loop(0, N_CHUNKS, step=2)
        def _pair(g):
            phase(g, 0)
            phase(g + 1, 1)

        wait_writeback(N_CHUNKS - 2, 0)
        wait_writeback(N_CHUNKS - 1, 1)

    return emb_ln


_EMB_LN = _make_sc_kernel()


def kernel(input_ids, token_type_ids, word_embeddings, token_type_embeddings,
           position_embeddings, ln_gamma, ln_beta):
    batch, seq = input_ids.shape
    ids = input_ids.reshape(-1)
    tt = token_type_ids.reshape(-1)
    comb = (token_type_embeddings[:, None, :]
            + position_embeddings[None, :seq, :]).reshape(2 * seq, EMBED)
    gb = jnp.stack([ln_gamma, ln_beta])
    out = _EMB_LN(ids, tt, comb, word_embeddings, gb)
    return out.reshape(batch, seq, EMBED)

# --- scband reference (transcript-rebuilt; emitter-appended) ---
"""Pipeline reference for scband-bert-embedding-43499428774585 (READ-ONLY COPY).

The authoritative reference and input builder live on the scoring server;
editing this copy changes nothing except your own understanding.
"""

import jax, jax.numpy as jnp
import numpy as np

VOCAB = 100000
TYPE_VOCAB = 2
EMBED = 128
MAX_POS = 512
B = 1024
S = 200


def setup_inputs(seed: int = 0) -> dict:
    key = jax.random.key(seed)
    k1, k2, k3, k4, k5 = jax.random.split(key, 5)
    input_ids = jax.random.randint(k1, (B, S), 0, VOCAB, dtype=jnp.int32)
    token_type_ids = jax.random.randint(k2, (B, S), 0, TYPE_VOCAB, dtype=jnp.int32)
    word_embeddings = jax.random.truncated_normal(k3, -2.0, 2.0, (VOCAB, EMBED), dtype=jnp.float32) * 0.02
    token_type_embeddings = jax.random.truncated_normal(k4, -2.0, 2.0, (TYPE_VOCAB, EMBED), dtype=jnp.float32) * 0.02
    position_embeddings = jax.random.truncated_normal(k5, -2.0, 2.0, (MAX_POS, EMBED), dtype=jnp.float32) * 0.02
    ln_gamma = jnp.ones((EMBED,), dtype=jnp.float32)
    ln_beta = jnp.zeros((EMBED,), dtype=jnp.float32)
    return {
        "input_ids": input_ids,
        "token_type_ids": token_type_ids,
        "word_embeddings": word_embeddings,
        "token_type_embeddings": token_type_embeddings,
        "position_embeddings": position_embeddings,
        "ln_gamma": ln_gamma,
        "ln_beta": ln_beta,
    }


def reference(input_ids, token_type_ids, word_embeddings, token_type_embeddings, position_embeddings, ln_gamma, ln_beta):
    seq_len = input_ids.shape[1]
    emb = jnp.take(word_embeddings, input_ids, axis=0)
    emb = emb + jnp.take(token_type_embeddings, token_type_ids, axis=0)
    emb = emb + position_embeddings[:seq_len][None, :, :]
    # LayerNorm, epsilon=1e-12 (dropout is a no-op at inference)
    mean = jnp.mean(emb, axis=-1, keepdims=True)
    var = jnp.mean(jnp.square(emb - mean), axis=-1, keepdims=True)
    normed = (emb - mean) / jnp.sqrt(var + 1e-12)
    out = normed * ln_gamma + ln_beta
    return out

if __name__ == "__main__":
    import jax
    _d = setup_inputs()
    print(jax.jit(kernel)(*tuple(_d.values())))

</pallas_src>

<mosaic_0001>
#map = affine_map<(d0, d1) -> (0)>
#map1 = affine_map<(d0, d1) -> (0, 0)>
module attributes {stable_mosaic.version = 14 : i64} {
  func.func @emb_ln(%arg0: i32, %arg1: i32, %arg2: memref<204800xi32, #tpu.memory_space<hbm>>, %arg3: memref<204800xi32, #tpu.memory_space<hbm>>, %arg4: memref<400x128xf32, #tpu.memory_space<hbm>>, %arg5: memref<100000x128xf32, #tpu.memory_space<hbm>>, %arg6: memref<2x128xf32, #tpu.memory_space<hbm>>, %arg7: memref<204800x128xf32, #tpu.memory_space<hbm>>, %arg8: memref<6400xi32, #tpu.memory_space<vmem>>, %arg9: memref<6400xi32, #tpu.memory_space<vmem>>, %arg10: memref<400x128xf32, #tpu.memory_space<vmem_shared>>, %arg11: memref<128x128xf32, #tpu.memory_space<vmem>>, %arg12: memref<128x128xf32, #tpu.memory_space<vmem>>, %arg13: memref<128x128xf32, #tpu.memory_space<vmem>>, %arg14: memref<128x128xf32, #tpu.memory_space<vmem>>, %arg15: memref<2x128xf32, #tpu.memory_space<vmem>>, %arg16: memref<!tpu.dma_semaphore, #tpu.memory_space<semaphore_mem>>, %arg17: memref<!tpu.dma_semaphore, #tpu.memory_space<semaphore_mem>>, %arg18: memref<!tpu.dma_semaphore, #tpu.memory_space<semaphore_mem>>, %arg19: memref<!tpu.dma_semaphore, #tpu.memory_space<semaphore_mem>>, %arg20: memref<!tpu.dma_semaphore, #tpu.memory_space<semaphore_mem>>, %arg21: memref<!tpu.dma_semaphore, #tpu.memory_space<semaphore_mem>>) attributes {dimension_semantics = [#tpu.dimension_semantics<core_parallel>, #tpu.dimension_semantics<subcore_parallel>], iteration_bounds = array<i64: 2, 16>, scalar_prefetch = 0 : i64, scratch_operands = 14 : i64, tpu.core_type = #tpu.core_type<sc_vector_subcore>, window_params = [{transform_indices = #map}, {transform_indices = #map}, {transform_indices = #map1}, {transform_indices = #map1}, {transform_indices = #map1}, {transform_indices = #map1}]} {
    %mul3A = arith.constant 2 : i32
    %mul3A_0 = arith.muli %arg1, %mul3A : i32
    %add3A = arith.addi %mul3A_0, %arg0 : i32
    %mul3A_1 = arith.constant 6400 : i32
    %mul3A_2 = arith.muli %add3A, %mul3A_1 : i32
    "tpu.region"() ({
      %run_scoped3A = tpu.sem_alloc : memref<!tpu.dma_semaphore, #tpu.memory_space<semaphore_mem>>
      tpu.enqueue_dma source(%arg6 : memref<2x128xf32, #tpu.memory_space<hbm>>) target(%arg15 : memref<2x128xf32, #tpu.memory_space<vmem>>) target_semaphore(%run_scoped3A : memref<!tpu.dma_semaphore, #tpu.memory_space<semaphore_mem>>)
      tpu.wait_dma2 semaphore(%run_scoped3A : memref<!tpu.dma_semaphore, #tpu.memory_space<semaphore_mem>>) src(%arg6 : memref<2x128xf32, #tpu.memory_space<hbm>>) dst(%arg15 : memref<2x128xf32, #tpu.memory_space<vmem>>)
      tpu.yield
    }) : () -> ()
    %get3A = arith.constant 0 : i32
    %get3A_3 = arith.index_cast %get3A : i32 to index
    %get3A_4 = arith.constant 0 : index
    %get3A_5 = tpu.vector_load %arg15[%get3A_3, %get3A_4] {strides = array<i32>} : memref<2x128xf32, #tpu.memory_space<vmem>>, vector<1x16xf32>,
    %get3A_6 = vector.shape_cast %get3A_5 : vector<1x16xf32> to vector<16xf32>
    %get3A_7 = arith.constant 0 : i32
    %get3A_8 = arith.index_cast %get3A_7 : i32 to index
    %get3A_9 = arith.constant 16 : index
    %get3A_10 = tpu.vector_load %arg15[%get3A_8, %get3A_9] {strides = array<i32>} : memref<2x128xf32, #tpu.memory_space<vmem>>, vector<1x16xf32>,
    %get3A_11 = vector.shape_cast %get3A_10 : vector<1x16xf32> to vector<16xf32>
    %get3A_12 = arith.constant 0 : i32
    %get3A_13 = arith.index_cast %get3A_12 : i32 to index
    %get3A_14 = arith.constant 32 : index
    %get3A_15 = tpu.vector_load %arg15[%get3A_13, %get3A_14] {strides = array<i32>} : memref<2x128xf32, #tpu.memory_space<vmem>>, vector<1x16xf32>,
    %get3A_16 = vector.shape_cast %get3A_15 : vector<1x16xf32> to vector<16xf32>
    %get3A_17 = arith.constant 0 : i32
    %get3A_18 = arith.index_cast %get3A_17 : i32 to index
    %get3A_19 = arith.constant 48 : index
    %get3A_20 = tpu.vector_load %arg15[%get3A_18, %get3A_19] {strides = array<i32>} : memref<2x128xf32, #tpu.memory_space<vmem>>, vector<1x16xf32>,
    %get3A_21 = vector.shape_cast %get3A_20 : vector<1x16xf32> to vector<16xf32>
    %get3A_22 = arith.constant 0 : i32
    %get3A_23 = arith.index_cast %get3A_22 : i32 to index
    %get3A_24 = arith.constant 64 : index
    %get3A_25 = tpu.vector_load %arg15[%get3A_23, %get3A_24] {strides = array<i32>} : memref<2x128xf32, #tpu.memory_space<vmem>>, vector<1x16xf32>,
    %get3A_26 = vector.shape_cast %get3A_25 : vector<1x16xf32> to vector<16xf32>
    %get3A_27 = arith.constant 0 : i32
    %get3A_28 = arith.index_cast %get3A_27 : i32 to index
    %get3A_29 = arith.constant 80 : index
    %get3A_30 = tpu.vector_load %arg15[%get3A_28, %get3A_29] {strides = array<i32>} : memref<2x128xf32, #tpu.memory_space<vmem>>, vector<1x16xf32>,
    %get3A_31 = vector.shape_cast %get3A_30 : vector<1x16xf32> to vector<16xf32>
    %get3A_32 = arith.constant 0 : i32
    %get3A_33 = arith.index_cast %get3A_32 : i32 to index
    %get3A_34 = arith.constant 96 : index
    %get3A_35 = tpu.vector_load %arg15[%get3A_33, %get3A_34] {strides = array<i32>} : memref<2x128xf32, #tpu.memory_space<vmem>>, vector<1x16xf32>,
    %get3A_36 = vector.shape_cast %get3A_35 : vector<1x16xf32> to vector<16xf32>
    %get3A_37 = arith.constant 0 : i32
    %get3A_38 = arith.index_cast %get3A_37 : i32 to index
    %get3A_39 = arith.constant 112 : index
    %get3A_40 = tpu.vector_load %arg15[%get3A_38, %get3A_39] {strides = array<i32>} : memref<2x128xf32, #tpu.memory_space<vmem>>, vector<1x16xf32>,
    %get3A_41 = vector.shape_cast %get3A_40 : vector<1x16xf32> to vector<16xf32>
    %get3A_42 = arith.constant 1 : i32
    %get3A_43 = arith.index_cast %get3A_42 : i32 to index
    %get3A_44 = arith.constant 0 : index
    %get3A_45 = tpu.vector_load %arg15[%get3A_43, %get3A_44] {strides = array<i32>} : memref<2x128xf32, #tpu.memory_space<vmem>>, vector<1x16xf32>,
    %get3A_46 = vector.shape_cast %get3A_45 : vector<1x16xf32> to vector<16xf32>
    %get3A_47 = arith.constant 1 : i32
    %get3A_48 = arith.index_cast %get3A_47 : i32 to index
    %get3A_49 = arith.constant 16 : index
    %get3A_50 = tpu.vector_load %arg15[%get3A_48, %get3A_49] {strides = array<i32>} : memref<2x128xf32, #tpu.memory_space<vmem>>, vector<1x16xf32>,
    %get3A_51 = vector.shape_cast %get3A_50 : vector<1x16xf32> to vector<16xf32>
    %get3A_52 = arith.constant 1 : i32
    %get3A_53 = arith.index_cast %get3A_52 : i32 to index
    %get3A_54 = arith.constant 32 : index
    %get3A_55 = tpu.vector_load %arg15[%get3A_53, %get3A_54] {strides = array<i32>} : memref<2x128xf32, #tpu.memory_space<vmem>>, vector<1x16xf32>,
    %get3A_56 = vector.shape_cast %get3A_55 : vector<1x16xf32> to vector<16xf32>
    %get3A_57 = arith.constant 1 : i32
    %get3A_58 = arith.index_cast %get3A_57 : i32 to index
    %get3A_59 = arith.constant 48 : index
    %get3A_60 = tpu.vector_load %arg15[%get3A_58, %get3A_59] {strides = array<i32>} : memref<2x128xf32, #tpu.memory_space<vmem>>, vector<1x16xf32>,
    %get3A_61 = vector.shape_cast %get3A_60 : vector<1x16xf32> to vector<16xf32>
    %get3A_62 = arith.constant 1 : i32
    %get3A_63 = arith.index_cast %get3A_62 : i32 to index
    %get3A_64 = arith.constant 64 : index
    %get3A_65 = tpu.vector_load %arg15[%get3A_63, %get3A_64] {strides = array<i32>} : memref<2x128xf32, #tpu.memory_space<vmem>>, vector<1x16xf32>,
    %get3A_66 = vector.shape_cast %get3A_65 : vector<1x16xf32> to vector<16xf32>
    %get3A_67 = arith.constant 1 : i32
    %get3A_68 = arith.index_cast %get3A_67 : i32 to index
    %get3A_69 = arith.constant 80 : index
    %get3A_70 = tpu.vector_load %arg15[%get3A_68, %get3A_69] {strides = array<i32>} : memref<2x128xf32, #tpu.memory_space<vmem>>, vector<1x16xf32>,
    %get3A_71 = vector.shape_cast %get3A_70 : vector<1x16xf32> to vector<16xf32>
    %get3A_72 = arith.constant 1 : i32
    %get3A_73 = arith.index_cast %get3A_72 : i32 to index
    %get3A_74 = arith.constant 96 : index
    %get3A_75 = tpu.vector_load %arg15[%get3A_73, %get3A_74] {strides = array<i32>} : memref<2x128xf32, #tpu.memory_space<vmem>>, vector<1x16xf32>,
    %get3A_76 = vector.shape_cast %get3A_75 : vector<1x16xf32> to vector<16xf32>
    %get3A_77 = arith.constant 1 : i32
    %get3A_78 = arith.index_cast %get3A_77 : i32 to index
    %get3A_79 = arith.constant 112 : index
    %get3A_80 = tpu.vector_load %arg15[%get3A_78, %get3A_79] {strides = array<i32>} : memref<2x128xf32, #tpu.memory_space<vmem>>, vector<1x16xf32>,
    %get3A_81 = vector.shape_cast %get3A_80 : vector<1x16xf32> to vector<16xf32>
    %iota3A = tpu.iota {dimensions = array<i32: 0>} : vector<16xi32>
    %xor3A = arith.constant 1 : i32
    %xor3A_82 = vector.broadcast %xor3A : i32 to vector<16xi32>
    %xor3A_83 = arith.xori %iota3A, %xor3A_82 : vector<16xi32>
    %reshape3A = vector.shape_cast %xor3A_83 : vector<16xi32> to vector<16x1xi32>
    %xor3A_84 = arith.constant 2 : i32
    %xor3A_85 = vector.broadcast %xor3A_84 : i32 to vector<16xi32>
    %xor3A_86 = arith.xori %iota3A, %xor3A_85 : vector<16xi32>
    %reshape3A_87 = vector.shape_cast %xor3A_86 : vector<16xi32> to vector<16x1xi32>
    %xor3A_88 = arith.constant 4 : i32
    %xor3A_89 = vector.broadcast %xor3A_88 : i32 to vector<16xi32>
    %xor3A_90 = arith.xori %iota3A, %xor3A_89 : vector<16xi32>
    %reshape3A_91 = vector.shape_cast %xor3A_90 : vector<16xi32> to vector<16x1xi32>
    %xor3A_92 = arith.constant 8 : i32
    %xor3A_93 = vector.broadcast %xor3A_92 : i32 to vector<16xi32>
    %xor3A_94 = arith.xori %iota3A, %xor3A_93 : vector<16xi32>
    %reshape3A_95 = vector.shape_cast %xor3A_94 : vector<16xi32> to vector<16x1xi32>
    %eq3A = arith.constant 0 : i32
    %eq3A_96 = arith.cmpi eq, %arg1, %eq3A : i32
    %convert_element_type3A = arith.extui %eq3A_96 : i1 to i32
    %cond3A = arith.constant 0 : i32
    %cond3A_97 = arith.cmpi ne, %convert_element_type3A, %cond3A : i32
    scf.if %cond3A_97 {
      "tpu.region"() ({
        %run_scoped3A = tpu.sem_alloc : memref<!tpu.dma_semaphore, #tpu.memory_space<semaphore_mem>>
        tpu.enqueue_dma source(%arg4 : memref<400x128xf32, #tpu.memory_space<hbm>>) target(%arg10 : memref<400x128xf32, #tpu.memory_space<vmem_shared>>) target_semaphore(%run_scoped3A : memref<!tpu.dma_semaphore, #tpu.memory_space<semaphore_mem>>)
        tpu.wait_dma2 semaphore(%run_scoped3A : memref<!tpu.dma_semaphore, #tpu.memory_space<semaphore_mem>>) src(%arg4 : memref<400x128xf32, #tpu.memory_space<hbm>>) dst(%arg10 : memref<400x128xf32, #tpu.memory_space<vmem_shared>>)
        tpu.yield
      }) : () -> ()
    } else {
    }
    "tpu.region"() ({
      %run_scoped3A = tpu.sem_alloc : memref<!tpu.dma_semaphore, #tpu.memory_space<semaphore_mem>>
      %dma_start3A_127 = tpu.memref_slice %arg2[%mul3A_2] : memref<204800xi32, #tpu.memory_space<hbm>> -> memref<6400xi32, #tpu.memory_space<hbm>>
      %dma_start3A_128 = tpu.memref_slice %arg2[%mul3A_2] : memref<204800xi32, #tpu.memory_space<hbm>> -> memref<6400xi32, #tpu.memory_space<hbm>>
      tpu.enqueue_dma source(%dma_start3A_128 : memref<6400xi32, #tpu.memory_space<hbm>>) target(%arg8 : memref<6400xi32, #tpu.memory_space<vmem>>) target_semaphore(%run_scoped3A : memref<!tpu.dma_semaphore, #tpu.memory_space<semaphore_mem>>)
      %dma_wait3A_129 = tpu.memref_slice %arg2[%mul3A_2] : memref<204800xi32, #tpu.memory_space<hbm>> -> memref<6400xi32, #tpu.memory_space<hbm>>
      %dma_wait3A_130 = tpu.memref_slice %arg2[%mul3A_2] : memref<204800xi32, #tpu.memory_space<hbm>> -> memref<6400xi32, #tpu.memory_space<hbm>>
      tpu.wait_dma2 semaphore(%run_scoped3A : memref<!tpu.dma_semaphore, #tpu.memory_space<semaphore_mem>>) src(%dma_wait3A_130 : memref<6400xi32, #tpu.memory_space<hbm>>) dst(%arg8 : memref<6400xi32, #tpu.memory_space<vmem>>)
      tpu.yield
    }) : () -> ()
    "tpu.region"() ({
      %run_scoped3A = tpu.sem_alloc : memref<!tpu.dma_semaphore, #tpu.memory_space<semaphore_mem>>
      %dma_start3A_127 = tpu.memref_slice %arg3[%mul3A_2] : memref<204800xi32, #tpu.memory_space<hbm>> -> memref<6400xi32, #tpu.memory_space<hbm>>
      %dma_start3A_128 = tpu.memref_slice %arg3[%mul3A_2] : memref<204800xi32, #tpu.memory_space<hbm>> -> memref<6400xi32, #tpu.memory_space<hbm>>
      tpu.enqueue_dma source(%dma_start3A_128 : memref<6400xi32, #tpu.memory_space<hbm>>) target(%arg9 : memref<6400xi32, #tpu.memory_space<vmem>>) target_semaphore(%run_scoped3A : memref<!tpu.dma_semaphore, #tpu.memory_space<semaphore_mem>>)
      %dma_wait3A_129 = tpu.memref_slice %arg3[%mul3A_2] : memref<204800xi32, #tpu.memory_space<hbm>> -> memref<6400xi32, #tpu.memory_space<hbm>>
      %dma_wait3A_130 = tpu.memref_slice %arg3[%mul3A_2] : memref<204800xi32, #tpu.memory_space<hbm>> -> memref<6400xi32, #tpu.memory_space<hbm>>
      tpu.wait_dma2 semaphore(%run_scoped3A : memref<!tpu.dma_semaphore, #tpu.memory_space<semaphore_mem>>) src(%dma_wait3A_130 : memref<6400xi32, #tpu.memory_space<hbm>>) dst(%arg9 : memref<6400xi32, #tpu.memory_space<vmem>>)
      tpu.yield
    }) : () -> ()
    %scan3A = arith.constant 0 : i32
    %scan3A_98 = arith.constant 400 : i32
    %scan3A_99 = arith.addi %scan3A, %scan3A_98 : i32
    %scan3A_100 = arith.constant 1 : i32
    scf.for %scan3A_127 = %scan3A to %scan3A_99 step %scan3A_100  : i32 {
      %mul3A_128 = arith.constant 1 : i32
      %mul3A_129 = arith.muli %scan3A_127, %mul3A_128 : i32
      %add3A_130 = arith.constant 0 : i32
      %add3A_131 = arith.addi %add3A_130, %mul3A_129 : i32
      %mul3A_132 = arith.constant 16 : i32
      %mul3A_133 = arith.muli %add3A_131, %mul3A_132 : i32
      %add3A_134 = vector.broadcast %mul3A_133 : i32 to vector<16xi32>
      %add3A_135 = arith.addi %add3A_134, %iota3A : vector<16xi32>
      %jit3A = arith.constant 200 : i32
      %eq3A_136 = arith.constant 0 : i32
      %eq3A_137 = arith.cmpi eq, %jit3A, %eq3A_136 : i32
      %jit3A_138 = arith.constant 1 : i32
      %select_n3A = arith.select %eq3A_137, %jit3A_138, %jit3A : i32
      %rem3A = vector.broadcast %select_n3A : i32 to vector<16xi32>
      %rem3A_139 = arith.remsi %add3A_135, %rem3A : vector<16xi32>
      %ne3A = arith.constant 0 : i32
      %ne3A_140 = vector.broadcast %ne3A : i32 to vector<16xi32>
      %ne3A_141 = arith.cmpi ne, %rem3A_139, %ne3A_140 : vector<16xi32>
      %lt3A = arith.constant 0 : i32
      %lt3A_142 = vector.broadcast %lt3A : i32 to vector<16xi32>
      %lt3A_143 = arith.cmpi slt, %rem3A_139, %lt3A_142 : vector<16xi32>
      %lt3A_144 = arith.constant 0 : i32
      %lt3A_145 = arith.cmpi slt, %select_n3A, %lt3A_144 : i32
      %ne3A_146 = vector.broadcast %lt3A_145 : i1 to vector<16xi1>
      %ne3A_147 = vector.broadcast %ne3A_146 : vector<16xi1> to vector<16xi1>
      %ne3A_148 = arith.xori %lt3A_143, %ne3A_147 : vector<16xi1>
      %and3A = arith.andi %ne3A_148, %ne3A_141 : vector<16xi1>
      %add3A_149 = vector.broadcast %select_n3A : i32 to vector<16xi32>
      %add3A_150 = arith.addi %rem3A_139, %add3A_149 : vector<16xi32>
      %select_n3A_151 = arith.select %and3A, %add3A_150, %rem3A_139 : vector<16xi1>, vector<16xi32>
      %get3A_152 = arith.index_cast %mul3A_133 : i32 to index
      %get3A_153 = tpu.vector_load %arg9[%get3A_152] {strides = array<i32>} : memref<6400xi32, #tpu.memory_space<vmem>>, vector<16xi32>,
      %get3A_154 = vector.shape_cast %get3A_153 : vector<16xi32> to vector<16xi32>
      %mul3A_155 = arith.constant 200 : i32
      %mul3A_156 = vector.broadcast %mul3A_155 : i32 to vector<16xi32>
      %mul3A_157 = arith.muli %get3A_154, %mul3A_156 : vector<16xi32>
      %add3A_158 = arith.addi %mul3A_157, %select_n3A_151 : vector<16xi32>
      %swap3A = arith.index_cast %mul3A_133 : i32 to index
      %swap3A_159 = tpu.vector_load %arg9[%swap3A] {strides = array<i32>} : memref<6400xi32, #tpu.memory_space<vmem>>, vector<16xi32>,
      %swap3A_160 = vector.shape_cast %swap3A_159 : vector<16xi32> to vector<16xi32>
      %swap3A_161 = vector.shape_cast %add3A_158 : vector<16xi32> to vector<16xi32>
      tpu.vector_store %arg9[%swap3A], %swap3A_161 {strides = array<i32>} : memref<6400xi32, #tpu.memory_space<vmem>>, vector<16xi32>,
    }
    %scan3A_101 = arith.constant 400 : i32
    %barrier3A = arith.constant 0 : index
    tpu.barrier barrier_id(%barrier3A)
    %dma_start3A = arith.constant 0 : i32
    %dma_start3A_102 = tpu.memref_slice %arg8[%dma_start3A] : memref<6400xi32, #tpu.memory_space<vmem>> -> memref<128xi32, #tpu.memory_space<vmem>>
    %dma_start3A_103 = arith.constant 0 : i32
    %dma_start3A_104 = arith.constant 0 : i32
    %dma_start3A_105 = tpu.memref_slice %arg5[%dma_start3A_103, %dma_start3A_104] : memref<100000x128xf32, #tpu.memory_space<hbm>> -> memref<100000x128xf32, #tpu.memory_space<hbm>>
    tpu.enqueue_indirect_dma source(%dma_start3A_105 : memref<100000x128xf32, #tpu.memory_space<hbm>>) target(%arg11 : memref<128x128xf32, #tpu.memory_space<vmem>>) offsets(%dma_start3A_102 : memref<128xi32, #tpu.memory_space<vmem>>) semaphore(%arg16 : memref<!tpu.dma_semaphore, #tpu.memory_space<semaphore_mem>>)
    %dma_start3A_106 = arith.constant 0 : i32
    %dma_start3A_107 = tpu.memref_slice %arg9[%dma_start3A_106] : memref<6400xi32, #tpu.memory_space<vmem>> -> memref<128xi32, #tpu.memory_space<vmem>>
    %dma_start3A_108 = arith.constant 0 : i32
    %dma_start3A_109 = arith.constant 0 : i32
    %dma_start3A_110 = tpu.memref_slice %arg10[%dma_start3A_108, %dma_start3A_109] : memref<400x128xf32, #tpu.memory_space<vmem_shared>> -> memref<400x128xf32, #tpu.memory_space<vmem_shared>>
    tpu.enqueue_indirect_dma source(%dma_start3A_110 : memref<400x128xf32, #tpu.memory_space<vmem_shared>>) target(%arg13 : memref<128x128xf32, #tpu.memory_space<vmem>>) offsets(%dma_start3A_107 : memref<128xi32, #tpu.memory_space<vmem>>) semaphore(%arg18 : memref<!tpu.dma_semaphore, #tpu.memory_space<semaphore_mem>>)
    %scan3A_111 = arith.constant 0 : i32
    %scan3A_112 = arith.constant 25 : i32
    %scan3A_113 = arith.addi %scan3A_111, %scan3A_112 : i32
    %scan3A_114 = arith.constant 1 : i32
    scf.for %scan3A_127 = %scan3A_111 to %scan3A_113 step %scan3A_114  : i32 {
      %mul3A_128 = arith.constant 2 : i32
      %mul3A_129 = arith.muli %scan3A_127, %mul3A_128 : i32
      %add3A_130 = arith.constant 0 : i32
      %add3A_131 = arith.addi %add3A_130, %mul3A_129 : i32
      %add3A_132 = arith.constant 1 : i32
      %add3A_133 = arith.addi %add3A_131, %add3A_132 : i32
      %lt3A = arith.constant 50 : i32
      %lt3A_134 = arith.cmpi slt, %add3A_133, %lt3A : i32
      %convert_element_type3A_135 = arith.extui %lt3A_134 : i1 to i32
      %cond3A_136 = arith.constant 0 : i32
      %cond3A_137 = arith.cmpi ne, %convert_element_type3A_135, %cond3A_136 : i32
      scf.if %cond3A_137 {
        %ge3A = arith.constant 1 : i32
        %ge3A_185 = arith.cmpi sge, %add3A_131, %ge3A : i32
        %convert_element_type3A_186 = arith.extui %ge3A_185 : i1 to i32
        %cond3A_187 = arith.constant 0 : i32
        %cond3A_188 = arith.cmpi ne, %convert_element_type3A_186, %cond3A_187 : i32
        scf.if %cond3A_188 {
          %sub3A = arith.constant 1 : i32
          %sub3A_203 = arith.subi %add3A_131, %sub3A : i32
          %mul3A_204 = arith.constant 128 : i32
          %mul3A_205 = arith.muli %sub3A_203, %mul3A_204 : i32
          %add3A_206 = arith.addi %mul3A_2, %mul3A_205 : i32
          %dma_wait3A_207 = arith.constant 0 : i32
          %dma_wait3A_208 = tpu.memref_slice %arg7[%add3A_206, %dma_wait3A_207] : memref<204800x128xf32, #tpu.memory_space<hbm>> -> memref<128x128xf32, #tpu.memory_space<hbm>>
          %dma_wait3A_209 = arith.constant 0 : i32
          %dma_wait3A_210 = tpu.memref_slice %arg7[%add3A_206, %dma_wait3A_209] : memref<204800x128xf32, #tpu.memory_space<hbm>> -> memref<128x128xf32, #tpu.memory_space<hbm>>
          tpu.wait_dma2 semaphore(%arg21 : memref<!tpu.dma_semaphore, #tpu.memory_space<semaphore_mem>>) src(%arg12 : memref<128x128xf32, #tpu.memory_space<vmem>>) dst(%dma_wait3A_210 : memref<128x128xf32, #tpu.memory_space<hbm>>)
        } else {
        }
        %add3A_189 = arith.constant 1 : i32
        %add3A_190 = arith.addi %add3A_131, %add3A_189 : i32
        %mul3A_191 = arith.constant 128 : i32
        %mul3A_192 = arith.muli %add3A_190, %mul3A_191 : i32
        %mul3A_193 = arith.constant 128 : i32
        %mul3A_194 = arith.muli %add3A_190, %mul3A_193 : i32
        %dma_start3A_195 = tpu.memref_slice %arg8[%mul3A_192] : memref<6400xi32, #tpu.memory_space<vmem>> -> memref<128xi32, #tpu.memory_space<vmem>>
        %dma_start3A_196 = arith.constant 0 : i32
        %dma_start3A_197 = arith.constant 0 : i32
        %dma_start3A_198 = tpu.memref_slice %arg5[%dma_start3A_196, %dma_start3A_197] : memref<100000x128xf32, #tpu.memory_space<hbm>> -> memref<100000x128xf32, #tpu.memory_space<hbm>>
        tpu.enqueue_indirect_dma source(%dma_start3A_198 : memref<100000x128xf32, #tpu.memory_space<hbm>>) target(%arg12 : memref<128x128xf32, #tpu.memory_space<vmem>>) offsets(%dma_start3A_195 : memref<128xi32, #tpu.memory_space<vmem>>) semaphore(%arg17 : memref<!tpu.dma_semaphore, #tpu.memory_space<semaphore_mem>>)
        %dma_start3A_199 = tpu.memref_slice %arg9[%mul3A_194] : memref<6400xi32, #tpu.memory_space<vmem>> -> memref<128xi32, #tpu.memory_space<vmem>>
        %dma_start3A_200 = arith.constant 0 : i32
        %dma_start3A_201 = arith.constant 0 : i32
        %dma_start3A_202 = tpu.memref_slice %arg10[%dma_start3A_200, %dma_start3A_201] : memref<400x128xf32, #tpu.memory_space<vmem_shared>> -> memref<400x128xf32, #tpu.memory_space<vmem_shared>>
        tpu.enqueue_indirect_dma source(%dma_start3A_202 : memref<400x128xf32, #tpu.memory_space<vmem_shared>>) target(%arg14 : memref<128x128xf32, #tpu.memory_space<vmem>>) offsets(%dma_start3A_199 : memref<128xi32, #tpu.memory_space<vmem>>) semaphore(%arg19 : memref<!tpu.dma_semaphore, #tpu.memory_space<semaphore_mem>>)
      } else {
      }
      %mul3A_138 = arith.constant 128 : i32
      %mul3A_139 = arith.muli %add3A_131, %mul3A_138 : i32
      %mul3A_140 = arith.constant 128 : i32
      %mul3A_141 = arith.muli %add3A_131, %mul3A_140 : i32
      %dma_wait3A_142 = tpu.memref_slice %arg8[%mul3A_139] : memref<6400xi32, #tpu.memory_space<vmem>> -> memref<128xi32, #tpu.memory_space<vmem>>
      %dma_wait3A_143 = arith.constant 0 : i32
      %dma_wait3A_144 = arith.constant 0 : i32
      %dma_wait3A_145 = tpu.memref_slice %arg5[%dma_wait3A_143, %dma_wait3A_144] : memref<100000x128xf32, #tpu.memory_space<hbm>> -> memref<100000x128xf32, #tpu.memory_space<hbm>>
      tpu.wait_indirect_dma semaphore(%arg16 : memref<!tpu.dma_semaphore, #tpu.memory_space<semaphore_mem>>) src(%dma_wait3A_145 : memref<100000x128xf32, #tpu.memory_space<hbm>>) dst(%arg11 : memref<128x128xf32, #tpu.memory_space<vmem>>)
      %dma_wait3A_146 = tpu.memref_slice %arg9[%mul3A_141] : memref<6400xi32, #tpu.memory_space<vmem>> -> memref<128xi32, #tpu.memory_space<vmem>>
      %dma_wait3A_147 = arith.constant 0 : i32
      %dma_wait3A_148 = arith.constant 0 : i32
      %dma_wait3A_149 = tpu.memref_slice %arg10[%dma_wait3A_147, %dma_wait3A_148] : memref<400x128xf32, #tpu.memory_space<vmem_shared>> -> memref<400x128xf32, #tpu.memory_space<vmem_shared>>
      tpu.wait_indirect_dma semaphore(%arg18 : memref<!tpu.dma_semaphore, #tpu.memory_space<semaphore_mem>>) src(%dma_wait3A_149 : memref<400x128xf32, #tpu.memory_space<vmem_shared>>) dst(%arg13 : memref<128x128xf32, #tpu.memory_space<vmem>>)
      %mul3A_150 = arith.constant 128 : i32
      %mul3A_151 = arith.muli %add3A_131, %mul3A_150 : i32
      %add3A_152 = arith.addi %mul3A_2, %mul3A_151 : i32
      %dma_start3A_153 = arith.constant 0 : i32
      %dma_start3A_154 = tpu.memref_slice %arg7[%add3A_152, %dma_start3A_153] : memref<204800x128xf32, #tpu.memory_space<hbm>> -> memref<128x128xf32, #tpu.memory_space<hbm>>
      %dma_start3A_155 = arith.constant 0 : i32
      %dma_start3A_156 = tpu.memref_slice %arg7[%add3A_152, %dma_start3A_155] : memref<204800x128xf32, #tpu.memory_space<hbm>> -> memref<128x128xf32, #tpu.memory_space<hbm>>
      tpu.enqueue_dma source(%arg11 : memref<128x128xf32, #tpu.memory_space<vmem>>) target(%dma_start3A_156 : memref<128x128xf32, #tpu.memory_space<hbm>>) target_semaphore(%arg20 : memref<!tpu.dma_semaphore, #tpu.memory_space<semaphore_mem>>)
      %add3A_157 = arith.constant 1 : i32
      %add3A_158 = arith.addi %add3A_131, %add3A_157 : i32
      %add3A_159 = arith.constant 1 : i32
      %add3A_160 = arith.addi %add3A_158, %add3A_159 : i32
      %lt3A_161 = arith.constant 50 : i32
      %lt3A_162 = arith.cmpi slt, %add3A_160, %lt3A_161 : i32
      %convert_element_type3A_163 = arith.extui %lt3A_162 : i1 to i32
      %cond3A_164 = arith.constant 0 : i32
      %cond3A_165 = arith.cmpi ne, %convert_element_type3A_163, %cond3A_164 : i32
      scf.if %cond3A_165 {
        %ge3A = arith.constant 1 : i32
        %ge3A_185 = arith.cmpi sge, %add3A_158, %ge3A : i32
        %convert_element_type3A_186 = arith.extui %ge3A_185 : i1 to i32
        %cond3A_187 = arith.constant 0 : i32
        %cond3A_188 = arith.cmpi ne, %convert_element_type3A_186, %cond3A_187 : i32
        scf.if %cond3A_188 {
          %sub3A = arith.constant 1 : i32
          %sub3A_203 = arith.subi %add3A_158, %sub3A : i32
          %mul3A_204 = arith.constant 128 : i32
          %mul3A_205 = arith.muli %sub3A_203, %mul3A_204 : i32
          %add3A_206 = arith.addi %mul3A_2, %mul3A_205 : i32
          %dma_wait3A_207 = arith.constant 0 : i32
          %dma_wait3A_208 = tpu.memref_slice %arg7[%add3A_206, %dma_wait3A_207] : memref<204800x128xf32, #tpu.memory_space<hbm>> -> memref<128x128xf32, #tpu.memory_space<hbm>>
          %dma_wait3A_209 = arith.constant 0 : i32
          %dma_wait3A_210 = tpu.memref_slice %arg7[%add3A_206, %dma_wait3A_209] : memref<204800x128xf32, #tpu.memory_space<hbm>> -> memref<128x128xf32, #tpu.memory_space<hbm>>
          tpu.wait_dma2 semaphore(%arg20 : memref<!tpu.dma_semaphore, #tpu.memory_space<semaphore_mem>>) src(%arg11 : memref<128x128xf32, #tpu.memory_space<vmem>>) dst(%dma_wait3A_210 : memref<128x128xf32, #tpu.memory_space<hbm>>)
        } else {
        }
        %add3A_189 = arith.constant 1 : i32
        %add3A_190 = arith.addi %add3A_158, %add3A_189 : i32
        %mul3A_191 = arith.constant 128 : i32
        %mul3A_192 = arith.muli %add3A_190, %mul3A_191 : i32
        %mul3A_193 = arith.constant 128 : i32
        %mul3A_194 = arith.muli %add3A_190, %mul3A_193 : i32
        %dma_start3A_195 = tpu.memref_slice %arg8[%mul3A_192] : memref<6400xi32, #tpu.memory_space<vmem>> -> memref<128xi32, #tpu.memory_space<vmem>>
        %dma_start3A_196 = arith.constant 0 : i32
        %dma_start3A_197 = arith.constant 0 : i32
        %dma_start3A_198 = tpu.memref_slice %arg5[%dma_start3A_196, %dma_start3A_197] : memref<100000x128xf32, #tpu.memory_space<hbm>> -> memref<100000x128xf32, #tpu.memory_space<hbm>>
        tpu.enqueue_indirect_dma source(%dma_start3A_198 : memref<100000x128xf32, #tpu.memory_space<hbm>>) target(%arg11 : memref<128x128xf32, #tpu.memory_space<vmem>>) offsets(%dma_start3A_195 : memref<128xi32, #tpu.memory_space<vmem>>) semaphore(%arg16 : memref<!tpu.dma_semaphore, #tpu.memory_space<semaphore_mem>>)
        %dma_start3A_199 = tpu.memref_slice %arg9[%mul3A_194] : memref<6400xi32, #tpu.memory_space<vmem>> -> memref<128xi32, #tpu.memory_space<vmem>>
        %dma_start3A_200 = arith.constant 0 : i32
        %dma_start3A_201 = arith.constant 0 : i32
        %dma_start3A_202 = tpu.memref_slice %arg10[%dma_start3A_200, %dma_start3A_201] : memref<400x128xf32, #tpu.memory_space<vmem_shared>> -> memref<400x128xf32, #tpu.memory_space<vmem_shared>>
        tpu.enqueue_indirect_dma source(%dma_start3A_202 : memref<400x128xf32, #tpu.memory_space<vmem_shared>>) target(%arg13 : memref<128x128xf32, #tpu.memory_space<vmem>>) offsets(%dma_start3A_199 : memref<128xi32, #tpu.memory_space<vmem>>) semaphore(%arg18 : memref<!tpu.dma_semaphore, #tpu.memory_space<semaphore_mem>>)
      } else {
      }
      %mul3A_166 = arith.constant 128 : i32
      %mul3A_167 = arith.muli %add3A_158, %mul3A_166 : i32
      %mul3A_168 = arith.constant 128 : i32
      %mul3A_169 = arith.muli %add3A_158, %mul3A_168 : i32
      %dma_wait3A_170 = tpu.memref_slice %arg8[%mul3A_167] : memref<6400xi32, #tpu.memory_space<vmem>> -> memref<128xi32, #tpu.memory_space<vmem>>
      %dma_wait3A_171 = arith.constant 0 : i32
      %dma_wait3A_172 = arith.constant 0 : i32
      %dma_wait3A_173 = tpu.memref_slice %arg5[%dma_wait3A_171, %dma_wait3A_172] : memref<100000x128xf32, #tpu.memory_space<hbm>> -> memref<100000x128xf32, #tpu.memory_space<hbm>>
      tpu.wait_indirect_dma semaphore(%arg17 : memref<!tpu.dma_semaphore, #tpu.memory_space<semaphore_mem>>) src(%dma_wait3A_173 : memref<100000x128xf32, #tpu.memory_space<hbm>>) dst(%arg12 : memref<128x128xf32, #tpu.memory_space<vmem>>)
      %dma_wait3A_174 = tpu.memref_slice %arg9[%mul3A_169] : memref<6400xi32, #tpu.memory_space<vmem>> -> memref<128xi32, #tpu.memory_space<vmem>>
      %dma_wait3A_175 = arith.constant 0 : i32
      %dma_wait3A_176 = arith.constant 0 : i32
      %dma_wait3A_177 = tpu.memref_slice %arg10[%dma_wait3A_175, %dma_wait3A_176] : memref<400x128xf32, #tpu.memory_space<vmem_shared>> -> memref<400x128xf32, #tpu.memory_space<vmem_shared>>
      tpu.wait_indirect_dma semaphore(%arg19 : memref<!tpu.dma_semaphore, #tpu.memory_space<semaphore_mem>>) src(%dma_wait3A_177 : memref<400x128xf32, #tpu.memory_space<vmem_shared>>) dst(%arg14 : memref<128x128xf32, #tpu.memory_space<vmem>>)
      %mul3A_178 = arith.constant 128 : i32
      %mul3A_179 = arith.muli %add3A_158, %mul3A_178 : i32
      %add3A_180 = arith.addi %mul3A_2, %mul3A_179 : i32
      %dma_start3A_181 = arith.constant 0 : i32
      %dma_start3A_182 = tpu.memref_slice %arg7[%add3A_180, %dma_start3A_181] : memref<204800x128xf32, #tpu.memory_space<hbm>> -> memref<128x128xf32, #tpu.memory_space<hbm>>
      %dma_start3A_183 = arith.constant 0 : i32
      %dma_start3A_184 = tpu.memref_slice %arg7[%add3A_180, %dma_start3A_183] : memref<204800x128xf32, #tpu.memory_space<hbm>> -> memref<128x128xf32, #tpu.memory_space<hbm>>
      tpu.enqueue_dma source(%arg12 : memref<128x128xf32, #tpu.memory_space<vmem>>) target(%dma_start3A_184 : memref<128x128xf32, #tpu.memory_space<hbm>>) target_semaphore(%arg21 : memref<!tpu.dma_semaphore, #tpu.memory_space<semaphore_mem>>)
    }
    %scan3A_115 = arith.constant 25 : i32
    %add3A_116 = arith.constant 6144 : i32
    %add3A_117 = arith.addi %mul3A_2, %add3A_116 : i32
    %dma_wait3A = arith.constant 0 : i32
    %dma_wait3A_118 = tpu.memref_slice %arg7[%add3A_117, %dma_wait3A] : memref<204800x128xf32, #tpu.memory_space<hbm>> -> memref<128x128xf32, #tpu.memory_space<hbm>>
    %dma_wait3A_119 = arith.constant 0 : i32
    %dma_wait3A_120 = tpu.memref_slice %arg7[%add3A_117, %dma_wait3A_119] : memref<204800x128xf32, #tpu.memory_space<hbm>> -> memref<128x128xf32, #tpu.memory_space<hbm>>
    tpu.wait_dma2 semaphore(%arg20 : memref<!tpu.dma_semaphore, #tpu.memory_space<semaphore_mem>>) src(%arg11 : memref<128x128xf32, #tpu.memory_space<vmem>>) dst(%dma_wait3A_120 : memref<128x128xf32, #tpu.memory_space<hbm>>)
    %add3A_121 = arith.constant 6272 : i32
    %add3A_122 = arith.addi %mul3A_2, %add3A_121 : i32
    %dma_wait3A_123 = arith.constant 0 : i32
    %dma_wait3A_124 = tpu.memref_slice %arg7[%add3A_122, %dma_wait3A_123] : memref<204800x128xf32, #tpu.memory_space<hbm>> -> memref<128x128xf32, #tpu.memory_space<hbm>>
    %dma_wait3A_125 = arith.constant 0 : i32
    %dma_wait3A_126 = tpu.memref_slice %arg7[%add3A_122, %dma_wait3A_125] : memref<204800x128xf32, #tpu.memory_space<hbm>> -> memref<128x128xf32, #tpu.memory_space<hbm>>
    tpu.wait_dma2 semaphore(%arg21 : memref<!tpu.dma_semaphore, #tpu.memory_space<semaphore_mem>>) src(%arg12 : memref<128x128xf32, #tpu.memory_space<vmem>>) dst(%dma_wait3A_126 : memref<128x128xf32, #tpu.memory_space<hbm>>)
    return
  }
}

</mosaic_0001>

<sc_bundles>
// kernel: kernel.3.cloned.1.call-start
scs
__scs_entry_jumppad:
0x0: {  	(pc) =	sbr.rel $0x88, $3  }
0x1: {  	(tag) =	ssettag $0x0;
	lr =	simm.s32 $0x1  }
0x2: {  	[smem:$0x3F9A] =	sst lr;
	_ =	strace $0xD0000000  }
0x3: {  	_ = 	snop  }
0x4: {  	_ = 	snop  }
0x5: {  	_ = 	snop  }
0x6: {  	_ = 	snop  }
0x7: {  	_ = 	snop  }
__scs_overlays_trampoline_lowered:
0x8: {  	[smem:$0x3FA9] =	sst s0  }
0x9: {  	[smem:$0x3FAA] =	sst s1  }
0xa: {  	[smem:$0x3FAB] =	sst s2  }
0xb: {  	[smem:$0x3FAC] =	sst s3  }
0xc: {  	[smem:$0x3FAD] =	sst s4  }
0xd: {  	[smem:$0x3FAE] =	sst s5  }
0xe: {  	[smem:$0x3FAF] =	sst s6  }
0xf: {  	[smem:$0x3FB0] =	sst s7  }
0x10: {  	[smem:$0x3FB1] =	sst s8  }
0x11: {  	[smem:$0x3FB2] =	sst s9;
	s0 =	simm.s32 @!p0 $0x0  }
0x12: {  	s1 =	sld [smem:$0x3F98];
	s0 =	simm.s32 @p0 $0x1  }
0x13: {  	[smem:$0x3FB3] =	sst s0;
	s0 =	simm.s32 @!p1 $0x0  }
0x14: {  	s2 =	sld [smem:$0x3F97];
	s0 =	simm.s32 @p1 $0x1  }
0x15: {  	[smem:$0x3FB4] =	sst s0;
	s0 =	simm.s32 @!p2 $0x0  }
0x16: {  	s3 =	sld [smem:$0x3FDB];
	s0 =	simm.s32 @p2 $0x1  }
0x17: {  	s4 =	simm.s32 $0x1BF5;
	[smem:$0x3FB6] =	sst s0  }
0x18: {  	s0 =	sld [smem:$0x3F99];
	_ =	swait.ge [sflag:s4], $0x0  }
0x19: {  	s7 =	sld [smem:$0x3F9A]  }
0x1a: {  	s8 =	sadd.s32 $0xFFFFE003, lr  }
0x1b: {  	s9 =	sadd.s32 $0xFFFFFEF7, lr;
	s5 =	simm.s32 $0xFFFFFFFF;
	p2 =	slt.u32 s8, $0xFFFFF086  }
0x1c: {  	p1 =	slt.u32 s9, $0xF7A;
	s5 =	simm.s32 @!p2 $0x0  }
0x1d: {  	s5 =	simm.s32 @p1 $0x1;
	p0 =	seq.s32 s7, s2  }
0x1e: {  	s7 =	smul.u32 @!p0 $0xF7A, s2;
	p2 =	seq.s32 @!p0 s5, $0x0  }
0x1f: {  	s9 =	smul.u32 $0xF7A, s1;
	s8 =	simm.s32 @!p0 $0x1BF5;
	p2 =	por !p2, p0  }
0x20: {  	[sflag:s8] =	ssyncset.s32 @!p0 $0xFFFFF086;
	s6 =	sadd.s32 @!p0 s3, s7;
	s7 =	simm.s32 @!p0 $0x108  }
0x21: {  	s3 =	sadd.s32 s3, s9;
	s6 =	sadd.s32 @!p0 $0x88, s6;
	s7 =	simm.s32 @p2 $0x1082  }
0x22: {  	[simem:s7], [sflag:s8] =	dma.local @!p0 [hbm:s6], $0xF7A  }
0x23: {  	s9 =	sor.u32 $0xD0000000, s2;
	s6 =	simm.s32 $0x108;
	_ =	swait.ge @!p0 [sflag:s8], $0x0  }
0x24: {  	s3 =	sadd.s32 $0x88, s3;
	s6 =	simm.s32 @!p1 $0x1082;
	[sflag:s4] =	ssyncset.s32 $0xFFFFF086  }
0x25: {  	[simem:s6], [sflag:s4] =	dma.local [hbm:s3], $0xF7A  }
0x26: {  	[smem:$0x3F9A] =	sst s1;
	(tag) =	ssettag s2;
	_ =	strace s9  }
0x27: {  	s1 =	sld [smem:$0x3FAA]  }
0x28: {  	s2 =	sld [smem:$0x3FAB]  }
0x29: {  	s4 =	sld [smem:$0x3FAD]  }
0x2a: {  	p0 =	seq.s32 s5, $0x0;
	s5 =	sld [smem:$0x3FAE]  }
0x2b: {  	s6 =	sld [smem:$0x3FAF]  }
0x2c: {  	s7 =	sld [smem:$0x3FB0]  }
0x2d: {  	s3 =	simm.s32 $0x108;
	s8 =	sld [smem:$0x3FB1]  }
0x2e: {  	s3 =	simm.s32 @!p0 $0x1082;
	s9 =	sld [smem:$0x3FB2]  }
0x2f: {  	lr =	sadd.s32 s0, s3;
	s0 =	sld [smem:$0x3FA9]  }
0x30: {  	s3 =	sld [smem:$0x3FAC]  }
0x31: {  	[smem:$0x3FB5] =	sst s10  }
0x32: {  	s10 =	sld [smem:$0x3FB3];
	_ =	sdelay $0x3  }
0x33: {  	p0 =	seq.s32 s10, $0x1;
	s10 =	sld [smem:$0x3FB5];
	_ =	sdelay $0x3  }
0x34: {  	[smem:$0x3FB5] =	sst s10  }
0x35: {  	s10 =	sld [smem:$0x3FB4];
	_ =	sdelay $0x3  }
0x36: {  	p1 =	seq.s32 s10, $0x1;
	s10 =	sld [smem:$0x3FB5];
	_ =	sdelay $0x3  }
0x37: {  	[smem:$0x3FB5] =	sst s10  }
0x38: {  	s10 =	sld [smem:$0x3FB6]  }
0x39: {  	_ = 	snop;
	(pc) =	sbr.ind lr, $3  }
0x3a: {  	_ = 	snop  }
0x3b: {  	_ = 	snop  }
0x3c: {  	p2 =	seq.s32 s10, $0x1;
	s10 =	sld [smem:$0x3FB5]  }
0x3d: {  	_ =	shalt  }
0x3e: {  	_ =	shalt  }
0x3f: {  	_ =	shalt  }
0x40: {  	_ =	shalt  }
0x41: {  	_ =	shalt  }
0x42: {  	_ =	shalt  }
0x43: {  	_ =	shalt  }
0x44: {  	_ =	shalt  }
0x45: {  	_ =	shalt  }
0x46: {  	_ =	shalt  }
0x47: {  	_ =	shalt  }
0x48: {  	_ =	shalt  }
0x49: {  	_ =	shalt  }
0x4a: {  	_ =	shalt  }
0x4b: {  	_ =	shalt  }
0x4c: {  	_ =	shalt  }
0x4d: {  	_ =	shalt  }
0x4e: {  	_ =	shalt  }
0x4f: {  	_ =	shalt  }
0x50: {  	_ =	shalt  }
0x51: {  	_ =	shalt  }
0x52: {  	_ =	shalt  }
0x53: {  	_ =	shalt  }
0x54: {  	_ =	shalt  }
0x55: {  	_ =	shalt  }
0x56: {  	_ =	shalt  }
0x57: {  	_ =	shalt  }
0x58: {  	_ =	shalt  }
0x59: {  	_ =	shalt  }
0x5a: {  	_ =	shalt  }
0x5b: {  	_ =	shalt  }
0x5c: {  	_ =	shalt  }
0x5d: {  	_ =	shalt  }
0x5e: {  	_ =	shalt  }
0x5f: {  	_ =	shalt  }
0x60: {  	_ =	shalt  }
0x61: {  	_ =	shalt  }
0x62: {  	_ =	shalt  }
0x63: {  	_ =	shalt  }
0x64: {  	_ =	shalt  }
0x65: {  	_ =	shalt  }
0x66: {  	_ =	shalt  }
0x67: {  	_ =	shalt  }
0x68: {  	_ =	shalt  }
0x69: {  	_ =	shalt  }
0x6a: {  	_ =	shalt  }
0x6b: {  	_ =	shalt  }
0x6c: {  	_ =	shalt  }
0x6d: {  	_ =	shalt  }
0x6e: {  	_ =	shalt  }
0x6f: {  	_ =	shalt  }
0x70: {  	_ =	shalt  }
0x71: {  	_ =	shalt  }
0x72: {  	_ =	shalt  }
0x73: {  	_ =	shalt  }
0x74: {  	_ =	shalt  }
0x75: {  	_ =	shalt  }
0x76: {  	_ =	shalt  }
0x77: {  	_ =	shalt  }
0x78: {  	_ =	shalt  }
0x79: {  	_ =	shalt  }
0x7a: {  	_ =	shalt  }
0x7b: {  	_ =	shalt  }
0x7c: {  	_ =	shalt  }
0x7d: {  	_ =	shalt  }
0x7e: {  	_ =	shalt  }
0x7f: {  	_ =	shalt  }
0x80: {  	_ =	shalt  }
0x81: {  	_ =	shalt  }
0x82: {  	_ =	shalt  }
0x83: {  	_ =	shalt  }
0x84: {  	_ =	shalt  }
0x85: {  	_ =	shalt  }
0x86: {  	_ =	shalt  }
0x87: {  	_ =	shalt  }
.Lfunc_end0:
.L_simem_size_0:
called_computation_lowered:
.L_overlay_start_0:
0x88: {  	s2 =	sld [smem:$0x3FD9]  }
0x89: {  	s3 =	sld [smem:$0x3FFE];
	_ =	sdelay $0x1  }
0x8a: {  	s1 =	srdreg.scid  }
0x8b: {  	s0 =	sand.u32 $0x1, s1  }
0x8c: {  	s17 =	sshll.u32 s0, $0xA;
	s2 =	sadd.s32 s3, s2  }
0x8d: {  	s2 =	sadd.s32 s2, s17  }
0x8e: {  	[smem:$0x3FC1] =	sst s2  }
0x8f: {  	_ = 	snop  }
0x90: {  	s2 =	sld [smem:$0x3FC7]  }
0x91: {  	s18 =	sld [smem:$0x3FD0];
	(tm) =	ssettm $0x1  }
0x92: {  	s4 =	sld [smem:$0x3FFB];
	_ =	sdelay $0x3  }
0x93: {  	_ =	strace s4  }
0x94: {  	s4 =	sld [smem:$0x3FFC];
	_ =	sdelay $0x3  }
0x95: {  	_ =	strace s4  }
0x96: {  	s4 =	sld [smem:$0x3FFD];
	_ =	sdelay $0x3  }
0x97: {  	_ =	strace s4  }
0x98: {  	_ =	strace $0x8FFFFFFF  }
0x99: {  	s19 =	sld [smem:$0x3FDB];
	_ =	sdelay $0x1  }
0x9a: {  	s5 =	simm.s32 $_scs_section_size  }
0x9b: {  	s6 =	simm.s32 $_size__tile_overlayer_lowered;
	s7 =	simm.s32 $_tile_overlayer_lowered  }
0x9c: {  	s22 =	simm.s32 $0x1BFF;
	s21 =	sshll.u32 s7, $0x1;
	s4 =	sadd.s32 s5, s19  }
0x9d: {  	s8 =	simm.s32 $0x0;
	s20 =	sshll.u32 s6, $0x1;
	s6 =	sadd.s32 s21, s4  }
0x9e: {  	[timem:s8], [sflag:s22] =	dma.local [hbm:s6], s20  }
0x9f: {  	_ =	swait.ge [sflag:s22], s20  }
0xa0: {  	s5 =	ssub.s32 $0x0, s20;
	[sflag:s22] =	ssyncset.done $0x0  }
0xa1: {  	[sflag:s22] =	ssyncadd.s32 s5;
	_ =	sdelay $0x1  }
0xa2: {  	s23 =	simm.s32 $0x1B8B  }
0xa3: {  	_ =	swait.ge [sflag:s23], $0x1  }
0xa4: {  	[sflag:s23] =	ssyncset.done $0x0  }
0xa5: {  	s25 =	simm.s32 $0x1B8E;
	s24 =	sld [smem:$0x3FFE];
	[sflag:s23] =	ssyncadd.s32 $0xFFFFFFFF  }
0xa6: {  	s26 =	simm.s32 $execute0_lowered;
	[smem:$0x3FD2] =	sst s25  }
0xa7: {  	s6 =	sshll.u32 s26, $0x1;
	_ =	strace $0x80000046;
	[dreg:$0x1] =	wrdreg $0xFFFFFFFF  }
0xa8: {  	s28 =	simm.s32 $_size_execute0_lowered;
	s4 =	sadd.s32 s4, s6;
	[dreg:$0x0] =	wrdreg $0x0  }
0xa9: {  	s6 =	sshll.u32 s28, $0x1;
	[dreg:$0x2] =	wrdreg s4  }
0xaa: {  	[dreg:$0x3] =	wrdreg s6  }
0xab: {  	[dreg:$0x4] =	wrdreg $0xC0  }
0xac: {  	_ =	task [dreg:s8], $0x5FFFF  }
0xad: {  	[dreg:$0x1] =	wrdreg $0xFFFFFFFF  }
0xae: {  	[dreg:$0x0] =	wrdreg $0x60  }
0xaf: {  	[dreg:$0x2] =	wrdreg s24  }
0xb0: {  	[dreg:$0x3] =	wrdreg s2  }
0xb1: {  	[dreg:$0x4] =	wrdreg s18  }
0xb2: {  	[dreg:$0x5] =	wrdreg $0x32000  }
0xb3: {  	[dreg:$0x6] =	wrdreg $0x9  }
0xb4: {  	_ =	task.clear_ibuf [dreg:s8], $0x7FFFF;
	_ =	strace $0x90000046  }
0xb5: {  	s29 =	simm.s32 $0x9;
	_ =	strace $0x80000048  }
0xb6: {  	_ =	swait.ge [sflag:s29], $0x1  }
0xb7: {  	[sflag:s29] =	ssyncadd.s32 $0xFFFFFFFF  }
0xb8: {  	_ =	strace $0x90000048  }
0xb9: {  	_ =	sfence  }
0xba: {  	s30 =	sld [smem:$0x0];
	_ =	sdelay $0x2  }
0xbb: {  	s31 =	sshll.u32 s1, $0xD;
	s1 =	sshrl.u32 s1, $0x2  }
0xbc: {  	s3 =	sand.u32 $0x4000, s31;
	s1 =	sadd.s32 s1, s30  }
0xbd: {  	s0 =	sor.u32 s3, s0;
	s1 =	sshll.u32 s1, $0x11  }
0xbe: {  	s0 =	sor.u32 s1, s0  }
0xbf: {  	s0 =	sadd.s32 $0x8F2B, s0  }
0xc0: {  	[sflag:s0] =	ssyncadd.remote.s32 $0x1  }
0xc1: {  	_ =	sfence.sel $0xFFFF  }
0xc2: {  	[dreg:$0x0] =	wrdreg $0xFFFFFFFF;
	(pc) =	sbr.abs _section_cstart, $3  }
0xc3: {  	[dreg:$0x1] =	wrdreg $0xFFFFFFFF  }
0xc4: {  	_ =	task.clear_ibuf [dreg:s8], $0x2FFFF;
	_ =	strace $0x9FFFFFFF  }
0xc5: {  	(tm) =	ssettm $0x7FFFFFFF  }
tec
execute0_lowered:
.L_overlay_start_1:
0x0: {  	(tag) =	ssettag $0x1  }
0x1: {  	s1 =	rddreg [dreg:$0x0]  }
0x2: {  	s0 =	rddreg [dreg:$0x1];
	s3 =	srdreg.scid  }
0x3: {  	s5 =	stileid.u32;
	s2 =	rddreg [dreg:$0x2]  }
0x4: {  	s17 =	simm.s32 $0x7;
	s19 =	simm.s32 $0x80;
	s20 =	simm.s32 $0x3E80  }
0x5: {  	s21 =	simm.s32 $0x1900;
	s22 =	simm.s32 $0xBE80;
	s23 =	simm.s32 $0x7E80  }
0x6: {  	s28 =	simm.s32 $0x3;
	s29 =	simm.s32 $0x5;
	s16 =	simm.s32 $0x4  }
0x7: {  	s30 =	simm.s32 $0x0;
	s6 =	sand.u32 $0x1, s3;
	s4 =	sshll.u32 s5, $0x1  }
0x8: {  	s3 =	rddreg [dreg:$0x3];
	s9 =	sadd.s32 $0xCE00, s1;
	s10 =	smul.u32 $0x190000, s5  }
0x9: {  	s7 =	sor.u32 s6, s4;
	s24 =	ssub.s32 $0x2, s6;
	s6 =	smul.u32 $0xC8000, s6  }
0xa: {  	p0 =	sne.s32 s5, $0x0;
	s4 =	simm.s32 $0x0;
	s8 =	smul.u32 $0x320, s7  }
0xb: {  	s18 =	sshrl.u32 @!p0 s3, $0x3;
	[smem:$0x7FF] =	sst s4;
	s7 =	smul.u32 $0xC8000, s7  }
0xc: {  	s25 =	sshrl.u32 s24, $0x1;
	_ =	strace $0x80000047;
	[dreg:$0x5] =	wrdreg s9  }
0xd: {  	s6 =	sadd.s32 s6, s10;
	s8 =	sadd.s32 s8, s1;
	s1 =	sadd.s32 $0xCC00, s1  }
0xe: {  	s7 =	sshrl.u32 s7, $0x3;
	s31 =	sadd.s32 $0xC000, s6;
	s14 =	sadd.s32 $0x8000, s6  }
0xf: {  	[dreg:$0x6] =	wrdreg s1;
	s1 =	ssub.s32 s24, s25;
	s26 =	sadd.s32 $0x400, s8  }
0x10: {  	s8 =	sadd.s32 $0x6800, s8;
	s9 =	sadd.s32 s2, s7;
	[dreg:$0x7] =	wrdreg s26  }
0x11: {  	s25 =	simm.s32 $0xFE80;
	s24 =	simm.s32 $0x6;
	[dreg:$0x8] =	wrdreg s8  }
0x12: {  	s1 =	smax.u32 s1, $0x1;
	s11 =	sadd.s32 $0x800, s9;
	s12 =	sadd.s32 $0x18000, s9  }
0x13: {  	s13 =	sadd.s32 $0x18800, s9;
	[dreg:$0x9] =	wrdreg s1;
	s1 =	sshrl.u32 s31, $0x3  }
0x14: {  	v0 =	vlaneseq.u32;
	s26 =	simm.s32 $0x1;
	s7 =	sadd.s32 s1, s2;
	s1 =	simm.s32 $0x2  }
.LBB2_1:
0x15: {  	s5 =	rddreg [dreg:$0x6];
	s6 =	simm.s32 $0x13E80  }
0x16: {  	[tilespmem:s6], [sflag:$0x7] =	stream.linear.gather [hbm4b:s5+s4], $0x100, $0x38;
	[tilespmem:$0x13F80] =	vst v63  }
0x17: {  	_ =	swait.ge [sflag:s17], $0x100  }
0x18: {  	[sflag:s17] =	ssyncset.done $0x0  }
0x19: {  	s5 =	simm.s32 @!p0 $0x1C07;
	s6 =	rddreg [dreg:$0x5];
	[sflag:s17] =	ssyncadd.s32 $0xFFFFFF00  }
0x1a: {  	[spmem:s18], [sflag:s5] =	dma.local @!p0 [hbm:s6], $0x1900  }
0x1b: {  	s5 =	simm.s32 @!p0 $0x7  }
0x1c: {  	_ =	swait.ge @!p0 [sflag:s5], $0x1900  }
0x1d: {  	[sflag:s5] =	ssyncset.done @!p0 $0x0  }
0x1e: {  	s15 =	rddreg [dreg:$0x7];
	[sflag:s5] =	ssyncadd.s32 @!p0 $0xFFFFE700  }
0x1f: {  	[tilespmem:s4], [sflag:$0x7] =	stream.linear.gather [hbm4b:s15+s4], $0x1900, $0x38;
	[tilespmem:$0x13F80] =	vst v63  }
0x20: {  	_ =	swait.ge [sflag:s17], $0x1900  }
0x21: {  	[sflag:s17] =	ssyncset.done $0x0  }
0x22: {  	s31 =	rddreg [dreg:$0x8];
	[sflag:s17] =	ssyncadd.s32 $0xFFFFE700  }
0x23: {  	[tilespmem:s21], [sflag:$0x7] =	stream.linear.gather [hbm4b:s31+s4], $0x1900, $0x38;
	[tilespmem:$0x13F80] =	vst v63  }
0x24: {  	_ =	swait.ge [sflag:s17], $0x1900  }
0x25: {  	[sflag:s17] =	ssyncset.done $0x0  }
0x26: {  	[sflag:s17] =	ssyncadd.s32 $0xFFFFE700  }
0x27: {  	v1 =	vor.u32 s4, v0;
	s6 =	simm.s32 $0x10;
	s5 =	simm.s32 $0x1900;
	v2 =	vld [tilespmem:s21+$0x0]  }
.LBB2_2:
0x28: {  	p1 =	sne.s32 s6, $0x18F0;
	v3 =	vmulhi.u32 $0x51EB851F, v1;
	_ =	sdelay $0x1  }
0x29: {  	v3 =	vshrl.u32 v3, $0x6  }
0x2a: {  	v3 =	vmul.u32 $0xC8, v3  }
.Ltmp0:
0x2b: {  	v2 =	vmul.u32 $0xC8, v2;
	(pc) =	sbr.rel @p1 .LBB2_2-.Ltmp0, $4  }
0x2c: {  	v1 =	vsub.s32 v1, v3  }
0x2d: {  	v1 =	vadd.s32 v1, v2  }
0x2e: {  	[tilespmem:s5+$0x0] =	vst v1;
	s5 =	sadd.s32 $0x10, s5  }
0x2f: {  	v1 =	vor.u32 s6, v0;
	s6 =	sadd.s32 $0x10, s6;
	v2 =	vld [tilespmem:s5+$0x0]  }
0x30: {  	v3 =	vmulhi.u32 $0x51EB851F, v1;
	_ =	sdelay $0x1  }
0x31: {  	v3 =	vshrl.u32 v3, $0x6  }
0x32: {  	v3 =	vmul.u32 $0xC8, v3  }
0x33: {  	v2 =	vmul.u32 $0xC8, v2  }
0x34: {  	v1 =	vsub.s32 v1, v3  }
0x35: {  	v1 =	vadd.s32 v1, v2  }
0x36: {  	[tilespmem:s5+$0x0] =	vst v1  }
0x37: {  	s15 =	simm.s32 $0x0;
	[bflag:$0x0] =	sbarrier.arrive $0xFFFF  }
0x38: {  	[tilespmem:s20], [sflag:$0x1] =	stream.indirect.gather [hbm4b:s0+s19], $0x80, s15, s19, $0xb8;
	[tilespmem:$0x13F80] =	vst v63  }
0x39: {  	_ = 	snop  }
0x3a: {  	[tilespmem:s22], [sflag:$0x3] =	stream.indirect.gather [spmem:s3], $0x80, s21, s19, $0xb8;
	[tilespmem:$0x13F80] =	vst v63  }
0x3b: {  	_ = 	snop  }
0x3c: {  	[tilespmem:s23], [sflag:$0x2] =	stream.indirect.gather [hbm4b:s0+s19], $0x80, s19, s19, $0xb8;
	[tilespmem:$0x13F80] =	vst v63  }
0x3d: {  	s6 =	simm.s32 $0x1980  }
0x3e: {  	[tilespmem:s25], [sflag:$0x4] =	stream.indirect.gather [spmem:s3], $0x80, s6, s19, $0xb8;
	[tilespmem:$0x13F80] =	vst v63  }
0x3f: {  	_ =	swait.ge [sflag:s26], $0x4000  }
0x40: {  	[sflag:s26] =	ssyncset.done $0x0  }
0x41: {  	[sflag:s26] =	ssyncadd.s32 $0xFFFFC000  }
0x42: {  	_ =	swait.ge [sflag:s28], $0x4000  }
0x43: {  	[sflag:s28] =	ssyncset.done $0x0  }
0x44: {  	[sflag:s28] =	ssyncadd.s32 $0xFFFFC000  }
0x45: {  	[hbm4b:s9+s15] =	stream.linear.scatter [tilespmem:s20], [sflag:$0x5], $0x4000, $0x38;
	[tilespmem:$0x13F80] =	vst v63  }
0x46: {  	_ =	swait.ge [sflag:s29], $0x4000  }
0x47: {  	[sflag:s29] =	ssyncset.done $0x0  }
0x48: {  	s8 =	simm.s32 $0x100;
	[sflag:s29] =	ssyncadd.s32 $0xFFFFC000  }
0x49: {  	[tilespmem:s20], [sflag:$0x1] =	stream.indirect.gather [hbm4b:s0+s19], $0x80, s8, s19, $0xb8;
	[tilespmem:$0x13F80] =	vst v63  }
0x4a: {  	s10 =	simm.s32 $0x1A00  }
0x4b: {  	[tilespmem:s22], [sflag:$0x3] =	stream.indirect.gather [spmem:s3], $0x80, s10, s19, $0xb8;
	[tilespmem:$0x13F80] =	vst v63  }
0x4c: {  	_ =	swait.ge [sflag:s1], $0x4000  }
0x4d: {  	[sflag:s1] =	ssyncset.done $0x0  }
0x4e: {  	[sflag:s1] =	ssyncadd.s32 $0xFFFFC000  }
0x4f: {  	_ =	swait.ge [sflag:s16], $0x4000  }
0x50: {  	[sflag:s16] =	ssyncset.done $0x0  }
0x51: {  	[sflag:s16] =	ssyncadd.s32 $0xFFFFC000  }
0x52: {  	[hbm4b:s11+s15] =	stream.linear.scatter [tilespmem:s23], [sflag:$0x6], $0x4000, $0x38;
	[tilespmem:$0x13F80] =	vst v63  }
0x53: {  	_ =	swait.ge [sflag:s24], $0x4000  }
0x54: {  	[sflag:s24] =	ssyncset.done $0x0  }
0x55: {  	s15 =	simm.s32 $0x180;
	[sflag:s24] =	ssyncadd.s32 $0xFFFFC000  }
0x56: {  	[tilespmem:s23], [sflag:$0x2] =	stream.indirect.gather [hbm4b:s0+s19], $0x80, s15, s19, $0xb8;
	[tilespmem:$0x13F80] =	vst v63  }
0x57: {  	s6 =	simm.s32 $0x1A80  }
0x58: {  	[tilespmem:s25], [sflag:$0x4] =	stream.indirect.gather [spmem:s3], $0x80, s6, s19, $0xb8;
	[tilespmem:$0x13F80] =	vst v63  }
0x59: {  	_ =	swait.ge [sflag:s26], $0x4000  }
0x5a: {  	[sflag:s26] =	ssyncset.done $0x0  }
0x5b: {  	[sflag:s26] =	ssyncadd.s32 $0xFFFFC000  }
0x5c: {  	_ =	swait.ge [sflag:s28], $0x4000  }
0x5d: {  	s8 =	sshrl.u32 s14, $0x3;
	[sflag:s28] =	ssyncset.done $0x0  }
0x5e: {  	s5 =	sadd.s32 s2, s8;
	[sflag:s28] =	ssyncadd.s32 $0xFFFFC000  }
0x5f: {  	[hbm4b:s5+s4] =	stream.linear.scatter [tilespmem:s20], [sflag:$0x5], $0x4000, $0x38;
	[tilespmem:$0x13F80] =	vst v63  }
0x60: {  	_ =	swait.ge [sflag:s29], $0x4000  }
0x61: {  	[sflag:s29] =	ssyncset.done $0x0  }
0x62: {  	s10 =	simm.s32 $0x200;
	[sflag:s29] =	ssyncadd.s32 $0xFFFFC000  }
0x63: {  	[tilespmem:s20], [sflag:$0x1] =	stream.indirect.gather [hbm4b:s0+s19], $0x80, s10, s19, $0xb8;
	[tilespmem:$0x13F80] =	vst v63  }
0x64: {  	s15 =	simm.s32 $0x1B00  }
0x65: {  	[tilespmem:s22], [sflag:$0x3] =	stream.indirect.gather [spmem:s3], $0x80, s15, s19, $0xb8;
	[tilespmem:$0x13F80] =	vst v63  }
0x66: {  	_ =	swait.ge [sflag:s1], $0x4000  }
0x67: {  	[sflag:s1] =	ssyncset.done $0x0  }
0x68: {  	[sflag:s1] =	ssyncadd.s32 $0xFFFFC000  }
0x69: {  	_ =	swait.ge [sflag:s16], $0x4000  }
0x6a: {  	s31 =	simm.s32 $0x400;
	s6 =	sadd.s32 $0x1000, s7;
	[sflag:s16] =	ssyncset.done $0x0  }
0x6b: {  	s5 =	sadd.s32 $0x8000, s14;
	s15 =	smov.u32 s7;
	[sflag:s16] =	ssyncadd.s32 $0xFFFFC000  }
.LBB2_4:
0x6c: {  	[hbm4b:s15+s4] =	stream.linear.scatter [tilespmem:s23], [sflag:$0x6], $0x4000, $0x38;
	[tilespmem:$0x13F80] =	vst v63  }
0x6d: {  	s8 =	smov.u32 s31;
	s15 =	smov.u32 s6  }
0x6e: {  	p1 =	sne.s32 s31, $0x5800;
	s31 =	sadd.s32 $0x400, s31;
	_ =	swait.ge [sflag:s24], $0x4000  }
0x6f: {  	s8 =	sshra.s32 s8, $0x2;
	[sflag:s24] =	ssyncset.done $0x0  }
0x70: {  	s10 =	sadd.s32 $0x180, s8;
	[sflag:s24] =	ssyncadd.s32 $0xFFFFC000  }
0x71: {  	[tilespmem:s23], [sflag:$0x2] =	stream.indirect.gather [hbm4b:s0+s19], $0x80, s10, s19, $0xb8;
	[tilespmem:$0x13F80] =	vst v63  }
0x72: {  	s10 =	sadd.s32 $0x1A80, s8  }
0x73: {  	[tilespmem:s25], [sflag:$0x4] =	stream.indirect.gather [spmem:s3], $0x80, s10, s19, $0xb8;
	[tilespmem:$0x13F80] =	vst v63  }
0x74: {  	_ =	swait.ge [sflag:s26], $0x4000  }
0x75: {  	[sflag:s26] =	ssyncset.done $0x0  }
0x76: {  	[sflag:s26] =	ssyncadd.s32 $0xFFFFC000  }
0x77: {  	_ =	swait.ge [sflag:s28], $0x4000  }
0x78: {  	s10 =	sshrl.u32 s5, $0x3;
	[sflag:s28] =	ssyncset.done $0x0  }
0x79: {  	s10 =	sadd.s32 s2, s10;
	[sflag:s28] =	ssyncadd.s32 $0xFFFFC000  }
0x7a: {  	[hbm4b:s10+s4] =	stream.linear.scatter [tilespmem:s20], [sflag:$0x5], $0x4000, $0x38;
	[tilespmem:$0x13F80] =	vst v63  }
0x7b: {  	_ =	swait.ge [sflag:s29], $0x4000  }
0x7c: {  	[sflag:s29] =	ssyncset.done $0x0  }
0x7d: {  	s10 =	sadd.s32 $0x200, s8;
	[sflag:s29] =	ssyncadd.s32 $0xFFFFC000  }
0x7e: {  	[tilespmem:s20], [sflag:$0x1] =	stream.indirect.gather [hbm4b:s0+s19], $0x80, s10, s19, $0xb8;
	[tilespmem:$0x13F80] =	vst v63  }
0x7f: {  	s8 =	sadd.s32 $0x1B00, s8  }
0x80: {  	[tilespmem:s22], [sflag:$0x3] =	stream.indirect.gather [spmem:s3], $0x80, s8, s19, $0xb8;
	[tilespmem:$0x13F80] =	vst v63  }
0x81: {  	_ =	swait.ge [sflag:s1], $0x4000  }
.Ltmp1:
0x82: {  	[sflag:s1] =	ssyncset.done $0x0;
	(pc) =	sbr.rel @p1 .LBB2_4-.Ltmp1, $4  }
0x83: {  	[sflag:s1] =	ssyncadd.s32 $0xFFFFC000  }
0x84: {  	_ =	swait.ge [sflag:s16], $0x4000  }
0x85: {  	[sflag:s16] =	ssyncset.done $0x0  }
0x86: {  	s6 =	sadd.s32 $0x1000, s6;
	s5 =	sadd.s32 $0x8000, s5;
	[sflag:s16] =	ssyncadd.s32 $0xFFFFC000  }
0x87: {  	[hbm4b:s15+s4] =	stream.linear.scatter [tilespmem:s23], [sflag:$0x6], $0x4000, $0x38;
	[tilespmem:$0x13F80] =	vst v63  }
0x88: {  	_ =	swait.ge [sflag:s24], $0x4000  }
0x89: {  	[sflag:s24] =	ssyncset.done $0x0  }
0x8a: {  	s5 =	simm.s32 $0x1880;
	[sflag:s24] =	ssyncadd.s32 $0xFFFFC000  }
0x8b: {  	[tilespmem:s23], [sflag:$0x2] =	stream.indirect.gather [hbm4b:s0+s19], $0x80, s5, s19, $0xb8;
	[tilespmem:$0x13F80] =	vst v63  }
0x8c: {  	s15 =	simm.s32 $0x3180  }
0x8d: {  	[tilespmem:s25], [sflag:$0x4] =	stream.indirect.gather [spmem:s3], $0x80, s15, s19, $0xb8;
	[tilespmem:$0x13F80] =	vst v63  }
0x8e: {  	_ =	swait.ge [sflag:s26], $0x4000  }
0x8f: {  	[sflag:s26] =	ssyncset.done $0x0  }
0x90: {  	[sflag:s26] =	ssyncadd.s32 $0xFFFFC000  }
0x91: {  	_ =	swait.ge [sflag:s28], $0x4000  }
0x92: {  	[sflag:s28] =	ssyncset.done $0x0  }
0x93: {  	[sflag:s28] =	ssyncadd.s32 $0xFFFFC000  }
0x94: {  	[hbm4b:s12+s4] =	stream.linear.scatter [tilespmem:s20], [sflag:$0x5], $0x4000, $0x38;
	[tilespmem:$0x13F80] =	vst v63  }
0x95: {  	_ =	swait.ge [sflag:s1], $0x4000  }
0x96: {  	[sflag:s1] =	ssyncset.done $0x0  }
0x97: {  	[sflag:s1] =	ssyncadd.s32 $0xFFFFC000  }
0x98: {  	_ =	swait.ge [sflag:s16], $0x4000  }
0x99: {  	[sflag:s16] =	ssyncset.done $0x0  }
0x9a: {  	[sflag:s16] =	ssyncadd.s32 $0xFFFFC000  }
0x9b: {  	[hbm4b:s13+s4] =	stream.linear.scatter [tilespmem:s23], [sflag:$0x6], $0x4000, $0x38;
	[tilespmem:$0x13F80] =	vst v63  }
0x9c: {  	_ =	swait.ge [sflag:s29], $0x4000  }
0x9d: {  	[sflag:s29] =	ssyncset.done $0x0  }
0x9e: {  	[sflag:s29] =	ssyncadd.s32 $0xFFFFC000  }
0x9f: {  	_ =	swait.ge [sflag:s24], $0x4000  }
0xa0: {  	s30 =	sadd.s32 $0x1, s30;
	s31 =	rddreg [dreg:$0x9]  }
0xa1: {  	p1 =	sne.s32 s30, s31  }
.Ltmp2:
0xa2: {  	_ = 	snop;
	(pc) =	sbr.rel @p1 .LBB2_1-.Ltmp2, $3  }
0xa3: {  	_ =	sdelay $0x1  }
0xa4: {  	[sflag:s24] =	ssyncset.done $0x0  }
0xa5: {  	[sflag:s24] =	ssyncadd.s32 $0xFFFFC000  }
0xa6: {  	_ =	sfence.sel $0x180000  }
0xa7: {  	[bflag:$0x0] =	sbarrier.arrive $0xFFFF  }
0xa8: {  	_ =	strace $0x90000047  }
0xa9: {  	[bflag:$0x2] =	sbarrier.arrive $0xFFFF  }
0xaa: {  	s0 =	rddreg [dreg:$0x4]  }
0xab: {  	s0 =	sadd.s32 @!p0 $0x100000, s0  }
0xac: {  	[sflag:s0] =	ssyncadd.tile.s32 @!p0 $0x1;
	_ =	shalt  }
.Lfunc_end2:
_tile_overlayer_lowered:
.L_overlay_start_2:
0xad: {  	(tag) =	ssettag $0x2  }
0xae: {  	s0 =	rddreg [dreg:$0x0];
	s2 =	stileid.u32  }
0xaf: {  	s1 =	rddreg [dreg:$0x1];
	p0 =	sne.s32 s2, $0x0  }
0xb0: {  	s3 =	rddreg [dreg:$0x2];
	[bflag:$0x3] =	sbarrier.arrive $0xFFFF;
	s2 =	simm.s32 @!p0 $0x1C07  }
0xb1: {  	[timem:s3], [sflag:s2] =	dma.local @!p0 [hbm:s0], s1  }
0xb2: {  	s0 =	simm.s32 @!p0 $0x7  }
0xb3: {  	_ =	swait.ge @!p0 [sflag:s0], s1  }
0xb4: {  	s1 =	ssub.s32 @!p0 $0x0, s1;
	[sflag:s0] =	ssyncset.done @!p0 $0x0  }
0xb5: {  	[sflag:s0] =	ssyncadd.s32 @!p0 s1  }
0xb6: {  	[bflag:$0x3] =	sbarrier.arrive $0xFFFF  }
0xb7: {  	_ =	shalt  }

</sc_bundles>
